<compile_context>
chip_gen: v7x
topology: tpu7x:2x2x1
jax: 0.10.2.dev20260603
libtpu: 0.0.44.dev20260713+nightly
codegen_flags: <defaults>
</compile_context>

<pallas_src>
import functools

import numpy as np
import jax
import jax.numpy as jnp
from jax import lax
from jax.experimental import pallas as pl
from jax.experimental.pallas import tpu as pltpu
from jax.experimental.pallas import tpu_sc as plsc

N = 20000
N_CLASS = 80
PROPOSAL_COUNT = 100
IOU_THRESHOLD = 0.5
SCORE_THRESHOLD = 0.05
PERF = 5000
CLIP_RATIO = 16.0 / 1000.0
NEG = -1e9
MAX_RATIO = float(np.abs(np.log(CLIP_RATIO)))

KPAD = 5120
ROWS = 80
OUTP = 128
TW = 128

_INTERPRET = False


def _pre_kernel(t_ref, out_ref):
    T = t_ref[...]
    sc = T[:, 88:89]
    prod = sc * T
    c = jax.lax.broadcasted_iota(jnp.int32, prod.shape, 1)
    p0 = prod[:, 0:1]
    mx = jnp.max(jnp.where((c >= 1) & (c < N_CLASS), prod, NEG), axis=1,
                 keepdims=True)
    maxs = jnp.maximum(p0, mx)
    av = ((T[:, 80:81] >= 0.0) & (T[:, 81:82] >= 0.0)
          & (T[:, 82:83] <= 1.0) & (T[:, 83:84] <= 1.0))
    valid = av & (maxs >= SCORE_THRESHOLD) & (mx > p0)
    out_ref[...] = jnp.where(valid, maxs, NEG)


def _decode(x1, y1, x2, y2, dx, dy, dw, dh):
    dw = jnp.clip(dw, -MAX_RATIO, MAX_RATIO)
    dh = jnp.clip(dh, -MAX_RATIO, MAX_RATIO)
    w = x2 - x1
    h = y2 - y1
    cx = x1 + 0.5 * w
    cy = y1 + 0.5 * h
    ncx = cx + dx * w
    ncy = cy + dy * h
    nw = w * jnp.exp(dw)
    nh = h * jnp.exp(dh)
    bx1 = jnp.clip(ncx - 0.5 * nw, 0.0, 1.0)
    by1 = jnp.clip(ncy - 0.5 * nh, 0.0, 1.0)
    bx2 = jnp.clip(ncx + 0.5 * nw, 0.0, 1.0)
    by2 = jnp.clip(ncy + 0.5 * nh, 0.0, 1.0)
    areas = jnp.maximum(bx2 - bx1, 0.0) * jnp.maximum(by2 - by1, 0.0)
    return bx1, by1, bx2, by2, areas


def _main_kernel(gt_ref, g_ref, tv_ref, outl_ref, outb_ref):
    GT = gt_ref[...]
    tv = tv_ref[...]

    srow = GT[88:89, :]
    rowi = jax.lax.broadcasted_iota(jnp.int32, (ROWS, KPAD), 0)
    coli = jax.lax.broadcasted_iota(jnp.int32, (ROWS, KPAD), 1)
    S0 = jnp.where((rowi < ROWS - 1) & (tv > NEG / 2),
                   srow * GT[1:1 + ROWS, :], NEG)

    bx1, by1, bx2, by2, areas = _decode(
        GT[80:81, :], GT[81:82, :], GT[82:83, :], GT[83:84, :],
        GT[84:85, :], GT[85:86, :], GT[86:87, :], GT[87:88, :])

    G = g_ref[...]
    cx1, cy1, cx2, cy2, careas = _decode(
        G[:, 80:81], G[:, 81:82], G[:, 82:83], G[:, 83:84],
        G[:, 84:85], G[:, 85:86], G[:, 86:87], G[:, 87:88])
    C5 = jnp.concatenate([cx1, cy1, cx2, cy2, careas], axis=1)

    colsel = jax.lax.broadcasted_iota(jnp.int32, (ROWS, OUTP), 1)

    def nms_step(t, carry):
        S, selv, seli = carry
        maxv = jnp.max(S, axis=1, keepdims=True)
        m = S == maxv
        idx = jnp.min(jnp.where(m, coli, 1 << 30), axis=1, keepdims=True)
        oh = coli == idx

        R = jnp.dot(jnp.where(oh, 1.0, 0.0), C5,
                    preferred_element_type=jnp.float32)
        bx1b = R[:, 0:1]
        by1b = R[:, 1:2]
        bx2b = R[:, 2:3]
        by2b = R[:, 3:4]
        ab = R[:, 4:5]
        ix = jnp.maximum(jnp.minimum(bx2, bx2b) - jnp.maximum(bx1, bx1b),
                         0.0)
        iy = jnp.maximum(jnp.minimum(by2, by2b) - jnp.maximum(by1, by1b),
                         0.0)
        inter = ix * iy
        union = areas + ab - inter
        supp = (union > 0) & (inter / jnp.maximum(union, 1e-12)
                              > IOU_THRESHOLD)
        S = jnp.where(supp | oh, NEG, S)
        tm = colsel == t
        selv = jnp.where(tm, maxv, selv)
        seli = jnp.where(tm, idx.astype(jnp.float32), seli)
        return S, selv, seli

    init = (S0,
            jnp.full((ROWS, OUTP), NEG, dtype=jnp.float32),
            jnp.zeros((ROWS, OUTP), dtype=jnp.float32))
    _, selv, seli = jax.lax.fori_loop(0, PROPOSAL_COUNT, nms_step, init)

    fk = (jax.lax.broadcasted_iota(jnp.int32, (ROWS, OUTP), 0) * OUTP
          + colsel)
    r128 = jax.lax.broadcasted_iota(jnp.int32, (OUTP, 1), 0)

    def fin_step(t, carry):
        FL, CIDX, FV = carry
        g = jnp.max(FL, axis=(0, 1), keepdims=True)
        m = FL == g
        k = jnp.min(jnp.where(m, fk, 1 << 30), axis=(0, 1), keepdims=True)
        oh2 = fk == k
        ci = jnp.sum(jnp.where(oh2, seli, 0.0), axis=(0, 1), keepdims=True)
        fvalid = (g > NEG / 2).astype(jnp.float32)
        rowm = r128 == t
        CIDX = jnp.where(rowm, ci, CIDX)
        FV = jnp.where(rowm, fvalid, FV)
        FL = jnp.where(oh2, NEG, FL)
        return FL, CIDX, FV

    _, CIDX, FV = jax.lax.fori_loop(
        0, PROPOSAL_COUNT, fin_step,
        (selv,
         jnp.zeros((OUTP, 1), dtype=jnp.float32),
         jnp.zeros((OUTP, 1), dtype=jnp.float32)))

    coli128 = jax.lax.broadcasted_iota(jnp.int32, (OUTP, KPAD), 1)
    OHB = jnp.where((coli128 == CIDX.astype(jnp.int32)) & (FV > 0.0),
                    1.0, 0.0)

    OHL = OHB * srow
    outl_ref[...] = jnp.dot(OHL, G, preferred_element_type=jnp.float32)

    def pickb(v):
        return jnp.sum(OHB * v, axis=1, keepdims=True)

    outb_ref[...] = jnp.concatenate(
        [pickb(bx1), pickb(by1), pickb(bx2), pickb(by2)], axis=1)


def _prepass(table):
    blk = 2000
    grid = (N // blk,)
    return pl.pallas_call(
        _pre_kernel,
        grid=grid,
        in_specs=[pl.BlockSpec((blk, TW), lambda i: (i, 0))],
        out_specs=pl.BlockSpec((blk, 1), lambda i: (i, 0)),
        out_shape=jax.ShapeDtypeStruct((N, 1), jnp.float32),
        interpret=_INTERPRET,
    )(table)


def _sc_gather(table, idx):
    info = plsc.get_sparse_core_info()
    nw = info.num_cores * info.num_subcores
    bpw = KPAD // nw
    mesh = plsc.VectorSubcoreMesh(core_axis_name="c", subcore_axis_name="s")

    @functools.partial(
        pl.kernel, mesh=mesh,
        out_type=jax.ShapeDtypeStruct((KPAD, TW), jnp.float32),
        scratch_types=[
            pltpu.VMEM((bpw,), jnp.int32),
            pltpu.VMEM((bpw, TW), jnp.float32),
            pltpu.SemaphoreType.DMA,
        ],
    )
    def k(table_hbm, idx_hbm, out_hbm, idx_v, rows_v, sem):
        wid = lax.axis_index("s") * info.num_cores + lax.axis_index("c")
        base = wid * bpw
        pltpu.sync_copy(idx_hbm.at[pl.ds(base, bpw)], idx_v)
        pltpu.async_copy(table_hbm.at[idx_v], rows_v, sem).wait()
        pltpu.sync_copy(rows_v, out_hbm.at[pl.ds(base, bpw)])

    return k(table, idx)


def _main(GT, G, tv):
    return pl.pallas_call(
        _main_kernel,
        out_shape=(
            jax.ShapeDtypeStruct((OUTP, TW), jnp.float32),
            jax.ShapeDtypeStruct((OUTP, 4), jnp.float32),
        ),
        interpret=_INTERPRET,
    )(GT, G, tv)


@jax.jit
def kernel(score, logits, regress, anchors):
    s = score[0]
    lg = logits[0]
    rg = regress[0]

    table = jnp.concatenate(
        [lg, anchors, rg, s, jnp.zeros((N, TW - 89), jnp.float32)], axis=1)
    masked = _prepass(table)[:, 0]
    top_vals, top_idx = jax.lax.top_k(masked, PERF)

    idx_p = jnp.pad(top_idx, (0, KPAD - PERF))
    G = _sc_gather(table, idx_p)
    GT = G.T
    tv = jnp.pad(top_vals, (0, KPAD - PERF), constant_values=NEG)[None, :]

    outl, outb = _main(GT, G, tv)
    return (outl[None, :PROPOSAL_COUNT, :N_CLASS],
            outb[None, :PROPOSAL_COUNT, :])

# --- scband reference (transcript-rebuilt; emitter-appended) ---
"""Pipeline reference for scband-filter-detection-9457517986253 (READ-ONLY COPY).

The authoritative reference and input builder live on the scoring server;
editing this copy changes nothing except your own understanding.
"""

import jax, jax.numpy as jnp
import numpy as np

N = 20000
N_CLASS = 80
PROPOSAL_COUNT = 100
IOU_THRESHOLD = 0.5
SCORE_THRESHOLD = 0.05
PERFORMANCE_COUNT = 5000
CLIP_RATIO = 16.0 / 1000.0
BATCH = 1
NEG = -1e9


def setup_inputs(seed: int = 0):
    key = jax.random.key(seed)
    k1, k2, k3, k4 = jax.random.split(key, 4)
    score = jax.random.uniform(k1, (BATCH, N, 1), dtype=jnp.float32)
    logits = jax.random.uniform(k2, (BATCH, N, N_CLASS), dtype=jnp.float32)
    regress = jax.random.normal(k3, (BATCH, N, 4), dtype=jnp.float32)
    anchors = jax.random.uniform(k4, (N, 4), dtype=jnp.float32)
    return {"score": score, "logits": logits, "regress": regress, "anchors": anchors}


def yolo2bbox(anchors, regress, clip_ratio=CLIP_RATIO):
    x1, y1, x2, y2 = jnp.split(anchors, 4, axis=-1)
    w = x2 - x1
    h = y2 - y1
    cx = x1 + 0.5 * w
    cy = y1 + 0.5 * h
    dx, dy, dw, dh = jnp.split(regress, 4, axis=-1)
    max_ratio = float(np.abs(np.log(clip_ratio)))
    dw = jnp.clip(dw, -max_ratio, max_ratio)
    dh = jnp.clip(dh, -max_ratio, max_ratio)
    ncx = cx + dx * w
    ncy = cy + dy * h
    nw = w * jnp.exp(dw)
    nh = h * jnp.exp(dh)
    return jnp.concatenate([ncx - 0.5 * nw, ncy - 0.5 * nh, ncx + 0.5 * nw, ncy + 0.5 * nh], axis=-1)


def hard_nms(boxes, scores, max_out, iou_thr):
    b = jax.lax.stop_gradient(boxes)
    s0 = jax.lax.stop_gradient(scores)
    x1, y1, x2, y2 = b[:, 0], b[:, 1], b[:, 2], b[:, 3]
    areas = jnp.maximum(x2 - x1, 0.0) * jnp.maximum(y2 - y1, 0.0)

    def step(scores_w, _):
        best = jnp.argmax(scores_w)
        best_score = scores_w[best]
        xx1 = jnp.maximum(x1, x1[best])
        yy1 = jnp.maximum(y1, y1[best])
        xx2 = jnp.minimum(x2, x2[best])
        yy2 = jnp.minimum(y2, y2[best])
        inter = jnp.maximum(xx2 - xx1, 0.0) * jnp.maximum(yy2 - yy1, 0.0)
        union = areas + areas[best] - inter
        iou = jnp.where(union > 0, inter / jnp.maximum(union, 1e-12), 0.0)
        ns = jnp.where(iou > iou_thr, NEG, scores_w)
        ns = ns.at[best].set(NEG)
        return ns, (best, best_score > NEG / 2)

    _, (idxs, valids) = jax.lax.scan(step, s0, None, length=max_out)
    return idxs, valids


def filter_detection_single(score, logit, regress, anchors, anchor_valid):
    logit = score * logit
    max_score = jnp.max(logit, axis=-1)
    label = jnp.argmax(logit, axis=-1)
    valid = anchor_valid & (SCORE_THRESHOLD <= max_score) & (label > 0)
    masked = jnp.where(valid, max_score, NEG)
    perf = min(PERFORMANCE_COUNT, masked.shape[0])
    top_vals, top_idx = jax.lax.top_k(masked, perf)
    logit_k = logit[top_idx]
    regress_k = regress[top_idx]
    anchors_k = anchors[top_idx]
    valid_k = top_vals > NEG / 2
    bbox = jnp.clip(yolo2bbox(anchors_k, regress_k), 0.0, 1.0)
    all_idx = []
    all_scores = []
    for c in range(1, N_CLASS):
        cs = jnp.where(valid_k, logit_k[:, c], NEG)
        idxs, valids = hard_nms(bbox, cs, PROPOSAL_COUNT, IOU_THRESHOLD)
        sel = jnp.where(valids, logit_k[idxs, c], NEG)
        all_idx.append(idxs)
        all_scores.append(sel)
    all_idx = jnp.concatenate(all_idx)
    all_scores = jnp.concatenate(all_scores)
    k = min(PROPOSAL_COUNT, all_scores.shape[0])
    top_s, top_i = jax.lax.top_k(all_scores, k)
    final_idx = all_idx[top_i]
    final_valid = top_s > NEG / 2
    out_logit = jnp.where(final_valid[:, None], logit_k[final_idx], 0.0)
    out_bbox = jnp.where(final_valid[:, None], bbox[final_idx], 0.0)
    return out_logit, out_bbox


def reference(score, logits, regress, anchors):
    anchor_valid = (anchors[:, 2] <= 1) & (anchors[:, 3] <= 1) & (anchors[:, 0] >= 0) & (anchors[:, 1] >= 0)
    outs_l = []
    outs_b = []
    for b in range(score.shape[0]):
        l, p = filter_detection_single(score[b], logits[b], regress[b], anchors, anchor_valid)
        outs_l.append(l)
        outs_b.append(p)
    return jnp.stack(outs_l, 0), jnp.stack(outs_b, 0)

if __name__ == "__main__":
    import jax
    _d = setup_inputs()
    print(jax.jit(kernel)(*tuple(_d.values())))

</pallas_src>

<mosaic_0001>
#map = affine_map<(d0, d1) -> (0, 0)>
#map1 = affine_map<(d0, d1) -> (0)>
module attributes {stable_mosaic.version = 14 : i64} {
  func.func @k(%arg0: i32, %arg1: i32, %arg2: memref<20000x128xf32, #tpu.memory_space<hbm>>, %arg3: memref<5120xi32, #tpu.memory_space<hbm>>, %arg4: memref<5120x128xf32, #tpu.memory_space<hbm>>, %arg5: memref<160xi32, #tpu.memory_space<vmem>>, %arg6: memref<160x128xf32, #tpu.memory_space<vmem>>, %arg7: memref<!tpu.dma_semaphore, #tpu.memory_space<semaphore_mem>>) attributes {dimension_semantics = [#tpu.dimension_semantics<core_parallel>, #tpu.dimension_semantics<subcore_parallel>], iteration_bounds = array<i64: 2, 16>, scalar_prefetch = 0 : i64, scratch_operands = 3 : i64, tpu.core_type = #tpu.core_type<sc_vector_subcore>, window_params = [{transform_indices = #map}, {transform_indices = #map1}, {transform_indices = #map}]} {
    %mul3A = arith.constant 2 : i32
    %mul3A_0 = arith.muli %arg1, %mul3A : i32
    %add3A = arith.addi %mul3A_0, %arg0 : i32
    %mul3A_1 = arith.constant 160 : i32
    %mul3A_2 = arith.muli %add3A, %mul3A_1 : i32
    "tpu.region"() ({
      %run_scoped3A = tpu.sem_alloc : memref<!tpu.dma_semaphore, #tpu.memory_space<semaphore_mem>>
      %dma_start3A_7 = tpu.memref_slice %arg3[%mul3A_2] : memref<5120xi32, #tpu.memory_space<hbm>> -> memref<160xi32, #tpu.memory_space<hbm>>
      %dma_start3A_8 = tpu.memref_slice %arg3[%mul3A_2] : memref<5120xi32, #tpu.memory_space<hbm>> -> memref<160xi32, #tpu.memory_space<hbm>>
      tpu.enqueue_dma source(%dma_start3A_8 : memref<160xi32, #tpu.memory_space<hbm>>) target(%arg5 : memref<160xi32, #tpu.memory_space<vmem>>) target_semaphore(%run_scoped3A : memref<!tpu.dma_semaphore, #tpu.memory_space<semaphore_mem>>)
      %dma_wait3A_9 = tpu.memref_slice %arg3[%mul3A_2] : memref<5120xi32, #tpu.memory_space<hbm>> -> memref<160xi32, #tpu.memory_space<hbm>>
      %dma_wait3A_10 = tpu.memref_slice %arg3[%mul3A_2] : memref<5120xi32, #tpu.memory_space<hbm>> -> memref<160xi32, #tpu.memory_space<hbm>>
      tpu.wait_dma2 semaphore(%run_scoped3A : memref<!tpu.dma_semaphore, #tpu.memory_space<semaphore_mem>>) src(%dma_wait3A_10 : memref<160xi32, #tpu.memory_space<hbm>>) dst(%arg5 : memref<160xi32, #tpu.memory_space<vmem>>)
      tpu.yield
    }) : () -> ()
    %dma_start3A = arith.constant 0 : i32
    %dma_start3A_3 = arith.constant 0 : i32
    %dma_start3A_4 = tpu.memref_slice %arg2[%dma_start3A, %dma_start3A_3] : memref<20000x128xf32, #tpu.memory_space<hbm>> -> memref<20000x128xf32, #tpu.memory_space<hbm>>
    tpu.enqueue_indirect_dma source(%dma_start3A_4 : memref<20000x128xf32, #tpu.memory_space<hbm>>) target(%arg6 : memref<160x128xf32, #tpu.memory_space<vmem>>) offsets(%arg5 : memref<160xi32, #tpu.memory_space<vmem>>) semaphore(%arg7 : memref<!tpu.dma_semaphore, #tpu.memory_space<semaphore_mem>>)
    %dma_wait3A = arith.constant 0 : i32
    %dma_wait3A_5 = arith.constant 0 : i32
    %dma_wait3A_6 = tpu.memref_slice %arg2[%dma_wait3A, %dma_wait3A_5] : memref<20000x128xf32, #tpu.memory_space<hbm>> -> memref<20000x128xf32, #tpu.memory_space<hbm>>
    tpu.wait_indirect_dma semaphore(%arg7 : memref<!tpu.dma_semaphore, #tpu.memory_space<semaphore_mem>>) src(%dma_wait3A_6 : memref<20000x128xf32, #tpu.memory_space<hbm>>) dst(%arg6 : memref<160x128xf32, #tpu.memory_space<vmem>>)
    "tpu.region"() ({
      %run_scoped3A = tpu.sem_alloc : memref<!tpu.dma_semaphore, #tpu.memory_space<semaphore_mem>>
      %dma_start3A_7 = arith.constant 0 : i32
      %dma_start3A_8 = tpu.memref_slice %arg4[%mul3A_2, %dma_start3A_7] : memref<5120x128xf32, #tpu.memory_space<hbm>> -> memref<160x128xf32, #tpu.memory_space<hbm>>
      %dma_start3A_9 = arith.constant 0 : i32
      %dma_start3A_10 = tpu.memref_slice %arg4[%mul3A_2, %dma_start3A_9] : memref<5120x128xf32, #tpu.memory_space<hbm>> -> memref<160x128xf32, #tpu.memory_space<hbm>>
      tpu.enqueue_dma source(%arg6 : memref<160x128xf32, #tpu.memory_space<vmem>>) target(%dma_start3A_10 : memref<160x128xf32, #tpu.memory_space<hbm>>) target_semaphore(%run_scoped3A : memref<!tpu.dma_semaphore, #tpu.memory_space<semaphore_mem>>)
      %dma_wait3A_11 = arith.constant 0 : i32
      %dma_wait3A_12 = tpu.memref_slice %arg4[%mul3A_2, %dma_wait3A_11] : memref<5120x128xf32, #tpu.memory_space<hbm>> -> memref<160x128xf32, #tpu.memory_space<hbm>>
      %dma_wait3A_13 = arith.constant 0 : i32
      %dma_wait3A_14 = tpu.memref_slice %arg4[%mul3A_2, %dma_wait3A_13] : memref<5120x128xf32, #tpu.memory_space<hbm>> -> memref<160x128xf32, #tpu.memory_space<hbm>>
      tpu.wait_dma2 semaphore(%run_scoped3A : memref<!tpu.dma_semaphore, #tpu.memory_space<semaphore_mem>>) src(%arg6 : memref<160x128xf32, #tpu.memory_space<vmem>>) dst(%dma_wait3A_14 : memref<160x128xf32, #tpu.memory_space<hbm>>)
      tpu.yield
    }) : () -> ()
    return
  }
}

module attributes {stable_mosaic.version = 14 : i64} {
  func.func @_pre_kernel(%arg0: i32, %arg1: memref<2000x128xf32, #tpu.memory_space<vmem>>, %arg2: memref<2000x1xf32, #tpu.memory_space<vmem>>) attributes {dimension_semantics = [#tpu.dimension_semantics<arbitrary>], iteration_bounds = array<i64: 10>, scalar_prefetch = 0 : i64, scratch_operands = 0 : i64, tpu.core_type = #tpu.core_type<tc>, window_params = [{transform_indices = @transform_0, window_bounds = array<i64: 2000, 128>}, {transform_indices = @transform_1, window_bounds = array<i64: 2000, 1>}]} {
    %get3A = arith.constant 0 : index
    %get3A_0 = arith.constant 0 : index
    %get3A_1 = vector.load %arg1[%get3A, %get3A_0] : memref<2000x128xf32, #tpu.memory_space<vmem>>, vector<2000x128xf32>
    %slice3A = vector.extract_strided_slice %get3A_1 {offsets = [0, 88], sizes = [2000, 1], strides = [1, 1]} : vector<2000x128xf32> to vector<2000x1xf32>
    %mul3A = vector.broadcast %slice3A : vector<2000x1xf32> to vector<2000x128xf32>
    %mul3A_2 = arith.mulf %mul3A, %get3A_1 : vector<2000x128xf32>
    %iota3A = tpu.iota {dimensions = array<i32: 1>} : vector<2000x128xi32>
    %slice3A_3 = vector.extract_strided_slice %mul3A_2 {offsets = [0, 0], sizes = [2000, 1], strides = [1, 1]} : vector<2000x128xf32> to vector<2000x1xf32>
    %ge3A = arith.constant 1 : i32
    %ge3A_4 = vector.broadcast %ge3A : i32 to vector<2000x128xi32>
    %ge3A_5 = arith.cmpi sge, %iota3A, %ge3A_4 : vector<2000x128xi32>
    %lt3A = arith.constant 80 : i32
    %lt3A_6 = vector.broadcast %lt3A : i32 to vector<2000x128xi32>
    %lt3A_7 = arith.cmpi slt, %iota3A, %lt3A_6 : vector<2000x128xi32>
    %and3A = arith.andi %ge3A_5, %lt3A_7 : vector<2000x128xi1>
    %jit3A = arith.constant -1.000000e+09 : f32
    %broadcast_in_dim3A = vector.broadcast %jit3A : f32 to vector<2000x128xf32>
    %select_n3A = arith.select %and3A, %mul3A_2, %broadcast_in_dim3A : vector<2000x128xi1>, vector<2000x128xf32>
    %reduce_max3A = arith.constant dense<0xFF800000> : vector<2000xf32>
    %reduce_max3A_8 = vector.multi_reduction <maximumf>, %select_n3A, %reduce_max3A [1] : vector<2000x128xf32> to vector<2000xf32>
    %broadcast_in_dim3A_9 = vector.shape_cast %reduce_max3A_8 : vector<2000xf32> to vector<2000x1xf32>
    %max3A = arith.maximumf %slice3A_3, %broadcast_in_dim3A_9 : vector<2000x1xf32>
    %slice3A_10 = vector.extract_strided_slice %get3A_1 {offsets = [0, 80], sizes = [2000, 1], strides = [1, 1]} : vector<2000x128xf32> to vector<2000x1xf32>
    %ge3A_11 = arith.constant 0.000000e+00 : f32
    %ge3A_12 = vector.broadcast %ge3A_11 : f32 to vector<2000x1xf32>
    %ge3A_13 = arith.cmpf oge, %slice3A_10, %ge3A_12 : vector<2000x1xf32>
    %slice3A_14 = vector.extract_strided_slice %get3A_1 {offsets = [0, 81], sizes = [2000, 1], strides = [1, 1]} : vector<2000x128xf32> to vector<2000x1xf32>
    %ge3A_15 = arith.constant 0.000000e+00 : f32
    %ge3A_16 = vector.broadcast %ge3A_15 : f32 to vector<2000x1xf32>
    %ge3A_17 = arith.cmpf oge, %slice3A_14, %ge3A_16 : vector<2000x1xf32>
    %and3A_18 = arith.andi %ge3A_13, %ge3A_17 : vector<2000x1xi1>
    %slice3A_19 = vector.extract_strided_slice %get3A_1 {offsets = [0, 82], sizes = [2000, 1], strides = [1, 1]} : vector<2000x128xf32> to vector<2000x1xf32>
    %le3A = arith.constant 1.000000e+00 : f32
    %le3A_20 = vector.broadcast %le3A : f32 to vector<2000x1xf32>
    %le3A_21 = arith.cmpf ole, %slice3A_19, %le3A_20 : vector<2000x1xf32>
    %and3A_22 = arith.andi %and3A_18, %le3A_21 : vector<2000x1xi1>
    %slice3A_23 = vector.extract_strided_slice %get3A_1 {offsets = [0, 83], sizes = [2000, 1], strides = [1, 1]} : vector<2000x128xf32> to vector<2000x1xf32>
    %le3A_24 = arith.constant 1.000000e+00 : f32
    %le3A_25 = vector.broadcast %le3A_24 : f32 to vector<2000x1xf32>
    %le3A_26 = arith.cmpf ole, %slice3A_23, %le3A_25 : vector<2000x1xf32>
    %and3A_27 = arith.andi %and3A_22, %le3A_26 : vector<2000x1xi1>
    %ge3A_28 = arith.constant 5.000000e-02 : f32
    %ge3A_29 = vector.broadcast %ge3A_28 : f32 to vector<2000x1xf32>
    %ge3A_30 = arith.cmpf oge, %max3A, %ge3A_29 : vector<2000x1xf32>
    %and3A_31 = arith.andi %and3A_27, %ge3A_30 : vector<2000x1xi1>
    %gt3A = arith.cmpf ogt, %broadcast_in_dim3A_9, %slice3A_3 : vector<2000x1xf32>
    %and3A_32 = arith.andi %and3A_31, %gt3A : vector<2000x1xi1>
    %jit3A_33 = arith.constant -1.000000e+09 : f32
    %broadcast_in_dim3A_34 = vector.broadcast %jit3A_33 : f32 to vector<2000x1xf32>
    %select_n3A_35 = arith.select %and3A_32, %max3A, %broadcast_in_dim3A_34 : vector<2000x1xi1>, vector<2000x1xf32>
    %swap3A = arith.constant 0 : index
    %swap3A_36 = arith.constant 0 : index
    %swap3A_37 = vector.load %arg2[%swap3A, %swap3A_36] : memref<2000x1xf32, #tpu.memory_space<vmem>>, vector<2000x1xf32>
    tpu.vector_store %arg2[%swap3A, %swap3A_36], %select_n3A_35 {strides = array<i32>} : memref<2000x1xf32, #tpu.memory_space<vmem>>, vector<2000x1xf32>,
    return
  }
  func.func @transform_0(%arg0: i32) -> (i32, i32) {
    %c0_i32 = arith.constant 0 : i32
    %c0_i32_0 = arith.constant 0 : i32
    return %arg0, %c0_i32 : i32, i32
  }
  func.func @transform_1(%arg0: i32) -> (i32, i32) {
    %c0_i32 = arith.constant 0 : i32
    %c0_i32_0 = arith.constant 0 : i32
    return %arg0, %c0_i32 : i32, i32
  }
}

module attributes {stable_mosaic.version = 14 : i64} {
  func.func @_main_kernel(%arg0: memref<128x5120xf32, #tpu.memory_space<vmem>>, %arg1: memref<5120x128xf32, #tpu.memory_space<vmem>>, %arg2: memref<1x5120xf32, #tpu.memory_space<vmem>>, %arg3: memref<128x128xf32, #tpu.memory_space<vmem>>, %arg4: memref<128x4xf32, #tpu.memory_space<vmem>>) attributes {dimension_semantics = [], scalar_prefetch = 0 : i64, scratch_operands = 0 : i64, tpu.core_type = #tpu.core_type<tc>} {
    %get3A = arith.constant 0 : index
    %get3A_0 = arith.constant 0 : index
    %get3A_1 = vector.load %arg0[%get3A, %get3A_0] : memref<128x5120xf32, #tpu.memory_space<vmem>>, vector<128x5120xf32>
    %get3A_2 = arith.constant 0 : index
    %get3A_3 = arith.constant 0 : index
    %get3A_4 = vector.load %arg2[%get3A_2, %get3A_3] : memref<1x5120xf32, #tpu.memory_space<vmem>>, vector<1x5120xf32>
    %slice3A = vector.extract_strided_slice %get3A_1 {offsets = [88, 0], sizes = [1, 5120], strides = [1, 1]} : vector<128x5120xf32> to vector<1x5120xf32>
    %iota3A = tpu.iota {dimensions = array<i32: 0>} : vector<80x5120xi32>
    %iota3A_5 = tpu.iota {dimensions = array<i32: 1>} : vector<80x5120xi32>
    %lt3A = arith.constant 79 : i32
    %lt3A_6 = vector.broadcast %lt3A : i32 to vector<80x5120xi32>
    %lt3A_7 = arith.cmpi slt, %iota3A, %lt3A_6 : vector<80x5120xi32>
    %gt3A = arith.constant -5.000000e+08 : f32
    %gt3A_8 = vector.broadcast %gt3A : f32 to vector<1x5120xf32>
    %gt3A_9 = arith.cmpf ogt, %get3A_4, %gt3A_8 : vector<1x5120xf32>
    %and3A = vector.broadcast %gt3A_9 : vector<1x5120xi1> to vector<80x5120xi1>
    %and3A_10 = arith.andi %lt3A_7, %and3A : vector<80x5120xi1>
    %slice3A_11 = vector.extract_strided_slice %get3A_1 {offsets = [1, 0], sizes = [80, 5120], strides = [1, 1]} : vector<128x5120xf32> to vector<80x5120xf32>
    %mul3A = vector.broadcast %slice3A : vector<1x5120xf32> to vector<80x5120xf32>
    %mul3A_12 = arith.mulf %mul3A, %slice3A_11 : vector<80x5120xf32>
    %jit3A = arith.constant -1.000000e+09 : f32
    %broadcast_in_dim3A = vector.broadcast %jit3A : f32 to vector<80x5120xf32>
    %select_n3A = arith.select %and3A_10, %mul3A_12, %broadcast_in_dim3A : vector<80x5120xi1>, vector<80x5120xf32>
    %slice3A_13 = vector.extract_strided_slice %get3A_1 {offsets = [80, 0], sizes = [1, 5120], strides = [1, 1]} : vector<128x5120xf32> to vector<1x5120xf32>
    %slice3A_14 = vector.extract_strided_slice %get3A_1 {offsets = [81, 0], sizes = [1, 5120], strides = [1, 1]} : vector<128x5120xf32> to vector<1x5120xf32>
    %slice3A_15 = vector.extract_strided_slice %get3A_1 {offsets = [82, 0], sizes = [1, 5120], strides = [1, 1]} : vector<128x5120xf32> to vector<1x5120xf32>
    %slice3A_16 = vector.extract_strided_slice %get3A_1 {offsets = [83, 0], sizes = [1, 5120], strides = [1, 1]} : vector<128x5120xf32> to vector<1x5120xf32>
    %slice3A_17 = vector.extract_strided_slice %get3A_1 {offsets = [84, 0], sizes = [1, 5120], strides = [1, 1]} : vector<128x5120xf32> to vector<1x5120xf32>
    %slice3A_18 = vector.extract_strided_slice %get3A_1 {offsets = [85, 0], sizes = [1, 5120], strides = [1, 1]} : vector<128x5120xf32> to vector<1x5120xf32>
    %slice3A_19 = vector.extract_strided_slice %get3A_1 {offsets = [86, 0], sizes = [1, 5120], strides = [1, 1]} : vector<128x5120xf32> to vector<1x5120xf32>
    %slice3A_20 = vector.extract_strided_slice %get3A_1 {offsets = [87, 0], sizes = [1, 5120], strides = [1, 1]} : vector<128x5120xf32> to vector<1x5120xf32>
    %jit3A_21 = arith.constant -4.13516665 : f32
    %jit3A_22 = arith.constant 4.13516665 : f32
    %max3A = vector.broadcast %jit3A_21 : f32 to vector<1x5120xf32>
    %max3A_23 = arith.maximumf %max3A, %slice3A_19 : vector<1x5120xf32>
    %min3A = vector.broadcast %jit3A_22 : f32 to vector<1x5120xf32>
    %min3A_24 = arith.minimumf %min3A, %max3A_23 : vector<1x5120xf32>
    %jit3A_25 = arith.constant -4.13516665 : f32
    %jit3A_26 = arith.constant 4.13516665 : f32
    %max3A_27 = vector.broadcast %jit3A_25 : f32 to vector<1x5120xf32>
    %max3A_28 = arith.maximumf %max3A_27, %slice3A_20 : vector<1x5120xf32>
    %min3A_29 = vector.broadcast %jit3A_26 : f32 to vector<1x5120xf32>
    %min3A_30 = arith.minimumf %min3A_29, %max3A_28 : vector<1x5120xf32>
    %sub3A = arith.subf %slice3A_15, %slice3A_13 : vector<1x5120xf32>
    %sub3A_31 = arith.subf %slice3A_16, %slice3A_14 : vector<1x5120xf32>
    %mul3A_32 = arith.constant 5.000000e-01 : f32
    %mul3A_33 = vector.broadcast %mul3A_32 : f32 to vector<1x5120xf32>
    %mul3A_34 = arith.mulf %mul3A_33, %sub3A : vector<1x5120xf32>
    %add3A = arith.addf %slice3A_13, %mul3A_34 : vector<1x5120xf32>
    %mul3A_35 = arith.constant 5.000000e-01 : f32
    %mul3A_36 = vector.broadcast %mul3A_35 : f32 to vector<1x5120xf32>
    %mul3A_37 = arith.mulf %mul3A_36, %sub3A_31 : vector<1x5120xf32>
    %add3A_38 = arith.addf %slice3A_14, %mul3A_37 : vector<1x5120xf32>
    %mul3A_39 = arith.mulf %slice3A_17, %sub3A : vector<1x5120xf32>
    %add3A_40 = arith.addf %add3A, %mul3A_39 : vector<1x5120xf32>
    %mul3A_41 = arith.mulf %slice3A_18, %sub3A_31 : vector<1x5120xf32>
    %add3A_42 = arith.addf %add3A_38, %mul3A_41 : vector<1x5120xf32>
    %exp3A = math.exp %min3A_24 : vector<1x5120xf32>
    %mul3A_43 = arith.mulf %sub3A, %exp3A : vector<1x5120xf32>
    %exp3A_44 = math.exp %min3A_30 : vector<1x5120xf32>
    %mul3A_45 = arith.mulf %sub3A_31, %exp3A_44 : vector<1x5120xf32>
    %mul3A_46 = arith.constant 5.000000e-01 : f32
    %mul3A_47 = vector.broadcast %mul3A_46 : f32 to vector<1x5120xf32>
    %mul3A_48 = arith.mulf %mul3A_47, %mul3A_43 : vector<1x5120xf32>
    %sub3A_49 = arith.subf %add3A_40, %mul3A_48 : vector<1x5120xf32>
    %jit3A_50 = arith.constant 0.000000e+00 : f32
    %jit3A_51 = arith.constant 1.000000e+00 : f32
    %max3A_52 = vector.broadcast %jit3A_50 : f32 to vector<1x5120xf32>
    %max3A_53 = arith.maximumf %max3A_52, %sub3A_49 : vector<1x5120xf32>
    %min3A_54 = vector.broadcast %jit3A_51 : f32 to vector<1x5120xf32>
    %min3A_55 = arith.minimumf %min3A_54, %max3A_53 : vector<1x5120xf32>
    %mul3A_56 = arith.constant 5.000000e-01 : f32
    %mul3A_57 = vector.broadcast %mul3A_56 : f32 to vector<1x5120xf32>
    %mul3A_58 = arith.mulf %mul3A_57, %mul3A_45 : vector<1x5120xf32>
    %sub3A_59 = arith.subf %add3A_42, %mul3A_58 : vector<1x5120xf32>
    %jit3A_60 = arith.constant 0.000000e+00 : f32
    %jit3A_61 = arith.constant 1.000000e+00 : f32
    %max3A_62 = vector.broadcast %jit3A_60 : f32 to vector<1x5120xf32>
    %max3A_63 = arith.maximumf %max3A_62, %sub3A_59 : vector<1x5120xf32>
    %min3A_64 = vector.broadcast %jit3A_61 : f32 to vector<1x5120xf32>
    %min3A_65 = arith.minimumf %min3A_64, %max3A_63 : vector<1x5120xf32>
    %mul3A_66 = arith.constant 5.000000e-01 : f32
    %mul3A_67 = vector.broadcast %mul3A_66 : f32 to vector<1x5120xf32>
    %mul3A_68 = arith.mulf %mul3A_67, %mul3A_43 : vector<1x5120xf32>
    %add3A_69 = arith.addf %add3A_40, %mul3A_68 : vector<1x5120xf32>
    %jit3A_70 = arith.constant 0.000000e+00 : f32
    %jit3A_71 = arith.constant 1.000000e+00 : f32
    %max3A_72 = vector.broadcast %jit3A_70 : f32 to vector<1x5120xf32>
    %max3A_73 = arith.maximumf %max3A_72, %add3A_69 : vector<1x5120xf32>
    %min3A_74 = vector.broadcast %jit3A_71 : f32 to vector<1x5120xf32>
    %min3A_75 = arith.minimumf %min3A_74, %max3A_73 : vector<1x5120xf32>
    %mul3A_76 = arith.constant 5.000000e-01 : f32
    %mul3A_77 = vector.broadcast %mul3A_76 : f32 to vector<1x5120xf32>
    %mul3A_78 = arith.mulf %mul3A_77, %mul3A_45 : vector<1x5120xf32>
    %add3A_79 = arith.addf %add3A_42, %mul3A_78 : vector<1x5120xf32>
    %jit3A_80 = arith.constant 0.000000e+00 : f32
    %jit3A_81 = arith.constant 1.000000e+00 : f32
    %max3A_82 = vector.broadcast %jit3A_80 : f32 to vector<1x5120xf32>
    %max3A_83 = arith.maximumf %max3A_82, %add3A_79 : vector<1x5120xf32>
    %min3A_84 = vector.broadcast %jit3A_81 : f32 to vector<1x5120xf32>
    %min3A_85 = arith.minimumf %min3A_84, %max3A_83 : vector<1x5120xf32>
    %sub3A_86 = arith.subf %min3A_75, %min3A_55 : vector<1x5120xf32>
    %max3A_87 = arith.constant 0.000000e+00 : f32
    %max3A_88 = vector.broadcast %max3A_87 : f32 to vector<1x5120xf32>
    %max3A_89 = arith.maximumf %sub3A_86, %max3A_88 : vector<1x5120xf32>
    %sub3A_90 = arith.subf %min3A_85, %min3A_65 : vector<1x5120xf32>
    %max3A_91 = arith.constant 0.000000e+00 : f32
    %max3A_92 = vector.broadcast %max3A_91 : f32 to vector<1x5120xf32>
    %max3A_93 = arith.maximumf %sub3A_90, %max3A_92 : vector<1x5120xf32>
    %mul3A_94 = arith.mulf %max3A_89, %max3A_93 : vector<1x5120xf32>
    %get3A_95 = arith.constant 0 : index
    %get3A_96 = arith.constant 0 : index
    %get3A_97 = vector.load %arg1[%get3A_95, %get3A_96] : memref<5120x128xf32, #tpu.memory_space<vmem>>, vector<5120x128xf32>
    %slice3A_98 = vector.extract_strided_slice %get3A_97 {offsets = [0, 80], sizes = [5120, 1], strides = [1, 1]} : vector<5120x128xf32> to vector<5120x1xf32>
    %slice3A_99 = vector.extract_strided_slice %get3A_97 {offsets = [0, 81], sizes = [5120, 1], strides = [1, 1]} : vector<5120x128xf32> to vector<5120x1xf32>
    %slice3A_100 = vector.extract_strided_slice %get3A_97 {offsets = [0, 82], sizes = [5120, 1], strides = [1, 1]} : vector<5120x128xf32> to vector<5120x1xf32>
    %slice3A_101 = vector.extract_strided_slice %get3A_97 {offsets = [0, 83], sizes = [5120, 1], strides = [1, 1]} : vector<5120x128xf32> to vector<5120x1xf32>
    %slice3A_102 = vector.extract_strided_slice %get3A_97 {offsets = [0, 84], sizes = [5120, 1], strides = [1, 1]} : vector<5120x128xf32> to vector<5120x1xf32>
    %slice3A_103 = vector.extract_strided_slice %get3A_97 {offsets = [0, 85], sizes = [5120, 1], strides = [1, 1]} : vector<5120x128xf32> to vector<5120x1xf32>
    %slice3A_104 = vector.extract_strided_slice %get3A_97 {offsets = [0, 86], sizes = [5120, 1], strides = [1, 1]} : vector<5120x128xf32> to vector<5120x1xf32>
    %slice3A_105 = vector.extract_strided_slice %get3A_97 {offsets = [0, 87], sizes = [5120, 1], strides = [1, 1]} : vector<5120x128xf32> to vector<5120x1xf32>
    %jit3A_106 = arith.constant -4.13516665 : f32
    %jit3A_107 = arith.constant 4.13516665 : f32
    %max3A_108 = vector.broadcast %jit3A_106 : f32 to vector<5120x1xf32>
    %max3A_109 = arith.maximumf %max3A_108, %slice3A_104 : vector<5120x1xf32>
    %min3A_110 = vector.broadcast %jit3A_107 : f32 to vector<5120x1xf32>
    %min3A_111 = arith.minimumf %min3A_110, %max3A_109 : vector<5120x1xf32>
    %jit3A_112 = arith.constant -4.13516665 : f32
    %jit3A_113 = arith.constant 4.13516665 : f32
    %max3A_114 = vector.broadcast %jit3A_112 : f32 to vector<5120x1xf32>
    %max3A_115 = arith.maximumf %max3A_114, %slice3A_105 : vector<5120x1xf32>
    %min3A_116 = vector.broadcast %jit3A_113 : f32 to vector<5120x1xf32>
    %min3A_117 = arith.minimumf %min3A_116, %max3A_115 : vector<5120x1xf32>
    %sub3A_118 = arith.subf %slice3A_100, %slice3A_98 : vector<5120x1xf32>
    %sub3A_119 = arith.subf %slice3A_101, %slice3A_99 : vector<5120x1xf32>
    %mul3A_120 = arith.constant 5.000000e-01 : f32
    %mul3A_121 = vector.broadcast %mul3A_120 : f32 to vector<5120x1xf32>
    %mul3A_122 = arith.mulf %mul3A_121, %sub3A_118 : vector<5120x1xf32>
    %add3A_123 = arith.addf %slice3A_98, %mul3A_122 : vector<5120x1xf32>
    %mul3A_124 = arith.constant 5.000000e-01 : f32
    %mul3A_125 = vector.broadcast %mul3A_124 : f32 to vector<5120x1xf32>
    %mul3A_126 = arith.mulf %mul3A_125, %sub3A_119 : vector<5120x1xf32>
    %add3A_127 = arith.addf %slice3A_99, %mul3A_126 : vector<5120x1xf32>
    %mul3A_128 = arith.mulf %slice3A_102, %sub3A_118 : vector<5120x1xf32>
    %add3A_129 = arith.addf %add3A_123, %mul3A_128 : vector<5120x1xf32>
    %mul3A_130 = arith.mulf %slice3A_103, %sub3A_119 : vector<5120x1xf32>
    %add3A_131 = arith.addf %add3A_127, %mul3A_130 : vector<5120x1xf32>
    %exp3A_132 = math.exp %min3A_111 : vector<5120x1xf32>
    %mul3A_133 = arith.mulf %sub3A_118, %exp3A_132 : vector<5120x1xf32>
    %exp3A_134 = math.exp %min3A_117 : vector<5120x1xf32>
    %mul3A_135 = arith.mulf %sub3A_119, %exp3A_134 : vector<5120x1xf32>
    %mul3A_136 = arith.constant 5.000000e-01 : f32
    %mul3A_137 = vector.broadcast %mul3A_136 : f32 to vector<5120x1xf32>
    %mul3A_138 = arith.mulf %mul3A_137, %mul3A_133 : vector<5120x1xf32>
    %sub3A_139 = arith.subf %add3A_129, %mul3A_138 : vector<5120x1xf32>
    %jit3A_140 = arith.constant 0.000000e+00 : f32
    %jit3A_141 = arith.constant 1.000000e+00 : f32
    %max3A_142 = vector.broadcast %jit3A_140 : f32 to vector<5120x1xf32>
    %max3A_143 = arith.maximumf %max3A_142, %sub3A_139 : vector<5120x1xf32>
    %min3A_144 = vector.broadcast %jit3A_141 : f32 to vector<5120x1xf32>
    %min3A_145 = arith.minimumf %min3A_144, %max3A_143 : vector<5120x1xf32>
    %mul3A_146 = arith.constant 5.000000e-01 : f32
    %mul3A_147 = vector.broadcast %mul3A_146 : f32 to vector<5120x1xf32>
    %mul3A_148 = arith.mulf %mul3A_147, %mul3A_135 : vector<5120x1xf32>
    %sub3A_149 = arith.subf %add3A_131, %mul3A_148 : vector<5120x1xf32>
    %jit3A_150 = arith.constant 0.000000e+00 : f32
    %jit3A_151 = arith.constant 1.000000e+00 : f32
    %max3A_152 = vector.broadcast %jit3A_150 : f32 to vector<5120x1xf32>
    %max3A_153 = arith.maximumf %max3A_152, %sub3A_149 : vector<5120x1xf32>
    %min3A_154 = vector.broadcast %jit3A_151 : f32 to vector<5120x1xf32>
    %min3A_155 = arith.minimumf %min3A_154, %max3A_153 : vector<5120x1xf32>
    %mul3A_156 = arith.constant 5.000000e-01 : f32
    %mul3A_157 = vector.broadcast %mul3A_156 : f32 to vector<5120x1xf32>
    %mul3A_158 = arith.mulf %mul3A_157, %mul3A_133 : vector<5120x1xf32>
    %add3A_159 = arith.addf %add3A_129, %mul3A_158 : vector<5120x1xf32>
    %jit3A_160 = arith.constant 0.000000e+00 : f32
    %jit3A_161 = arith.constant 1.000000e+00 : f32
    %max3A_162 = vector.broadcast %jit3A_160 : f32 to vector<5120x1xf32>
    %max3A_163 = arith.maximumf %max3A_162, %add3A_159 : vector<5120x1xf32>
    %min3A_164 = vector.broadcast %jit3A_161 : f32 to vector<5120x1xf32>
    %min3A_165 = arith.minimumf %min3A_164, %max3A_163 : vector<5120x1xf32>
    %mul3A_166 = arith.constant 5.000000e-01 : f32
    %mul3A_167 = vector.broadcast %mul3A_166 : f32 to vector<5120x1xf32>
    %mul3A_168 = arith.mulf %mul3A_167, %mul3A_135 : vector<5120x1xf32>
    %add3A_169 = arith.addf %add3A_131, %mul3A_168 : vector<5120x1xf32>
    %jit3A_170 = arith.constant 0.000000e+00 : f32
    %jit3A_171 = arith.constant 1.000000e+00 : f32
    %max3A_172 = vector.broadcast %jit3A_170 : f32 to vector<5120x1xf32>
    %max3A_173 = arith.maximumf %max3A_172, %add3A_169 : vector<5120x1xf32>
    %min3A_174 = vector.broadcast %jit3A_171 : f32 to vector<5120x1xf32>
    %min3A_175 = arith.minimumf %min3A_174, %max3A_173 : vector<5120x1xf32>
    %sub3A_176 = arith.subf %min3A_165, %min3A_145 : vector<5120x1xf32>
    %max3A_177 = arith.constant 0.000000e+00 : f32
    %max3A_178 = vector.broadcast %max3A_177 : f32 to vector<5120x1xf32>
    %max3A_179 = arith.maximumf %sub3A_176, %max3A_178 : vector<5120x1xf32>
    %sub3A_180 = arith.subf %min3A_175, %min3A_155 : vector<5120x1xf32>
    %max3A_181 = arith.constant 0.000000e+00 : f32
    %max3A_182 = vector.broadcast %max3A_181 : f32 to vector<5120x1xf32>
    %max3A_183 = arith.maximumf %sub3A_180, %max3A_182 : vector<5120x1xf32>
    %mul3A_184 = arith.mulf %max3A_179, %max3A_183 : vector<5120x1xf32>
    %concatenate3A = tpu.concatenate %min3A_145, %min3A_155, %min3A_165, %min3A_175, %mul3A_184 in 1 : vector<5120x1xf32>, vector<5120x1xf32>, vector<5120x1xf32>, vector<5120x1xf32>, vector<5120x1xf32> -> vector<5120x5xf32>
    %iota3A_185 = tpu.iota {dimensions = array<i32: 1>} : vector<80x128xi32>
    %broadcast_in_dim3A_186 = arith.constant -1.000000e+09 : f32
    %broadcast_in_dim3A_187 = vector.broadcast %broadcast_in_dim3A_186 : f32 to vector<80x128xf32>
    %broadcast_in_dim3A_188 = arith.constant 0.000000e+00 : f32
    %broadcast_in_dim3A_189 = vector.broadcast %broadcast_in_dim3A_188 : f32 to vector<80x128xf32>
    %scan3A = arith.constant 0 : i32
    %scan3A_190 = arith.constant 100 : i32
    %scan3A_191 = arith.addi %scan3A, %scan3A_190 : i32
    %scan3A_192 = arith.constant 1 : i32
    %scan3A_193:3 = scf.for %scan3A_251 = %scan3A to %scan3A_191 step %scan3A_192 iter_args(%scan3A_252 = %select_n3A, %scan3A_253 = %broadcast_in_dim3A_187, %scan3A_254 = %broadcast_in_dim3A_189) -> (vector<80x5120xf32>, vector<80x128xf32>, vector<80x128xf32>)  : i32 {
      %reduce_max3A = arith.constant dense<0xFF800000> : vector<80xf32>
      %reduce_max3A_255 = vector.multi_reduction <maximumf>, %scan3A_252, %reduce_max3A [1] : vector<80x5120xf32> to vector<80xf32>
      %broadcast_in_dim3A_256 = vector.shape_cast %reduce_max3A_255 : vector<80xf32> to vector<80x1xf32>
      %eq3A_257 = vector.broadcast %broadcast_in_dim3A_256 : vector<80x1xf32> to vector<80x5120xf32>
      %eq3A_258 = arith.cmpf oeq, %scan3A_252, %eq3A_257 : vector<80x5120xf32>
      %jit3A_259 = arith.constant 1073741824 : i32
      %broadcast_in_dim3A_260 = vector.broadcast %jit3A_259 : i32 to vector<80x5120xi32>
      %select_n3A_261 = arith.select %eq3A_258, %iota3A_5, %broadcast_in_dim3A_260 : vector<80x5120xi1>, vector<80x5120xi32>
      %reduce_min3A = arith.constant dense<2147483647> : vector<80xi32>
      %reduce_min3A_262 = vector.multi_reduction <minsi>, %select_n3A_261, %reduce_min3A [1] : vector<80x5120xi32> to vector<80xi32>
      %broadcast_in_dim3A_263 = vector.shape_cast %reduce_min3A_262 : vector<80xi32> to vector<80x1xi32>
      %eq3A_264 = vector.broadcast %broadcast_in_dim3A_263 : vector<80x1xi32> to vector<80x5120xi32>
      %eq3A_265 = arith.cmpi eq, %iota3A_5, %eq3A_264 : vector<80x5120xi32>
      %jit3A_266 = arith.constant 1.000000e+00 : f32
      %jit3A_267 = arith.constant 0.000000e+00 : f32
      %broadcast_in_dim3A_268 = vector.broadcast %jit3A_266 : f32 to vector<80x5120xf32>
      %broadcast_in_dim3A_269 = vector.broadcast %jit3A_267 : f32 to vector<80x5120xf32>
      %select_n3A_270 = arith.select %eq3A_265, %broadcast_in_dim3A_268, %broadcast_in_dim3A_269 : vector<80x5120xi1>, vector<80x5120xf32>
      %dot_general3A_271 = arith.constant dense<0.000000e+00> : vector<80x5xf32>
      %dot_general3A_272 = tpu.matmul %select_n3A_270, %concatenate3A, %dot_general3A_271 {dimension_numbers = #tpu.dot_dimension_numbers<[1], [0], [0], [1], [0, 0, 1, 1], [], []>, transpose_lhs_hint = false} : vector<80x5120xf32>, vector<5120x5xf32>, vector<80x5xf32> -> vector<80x5xf32>
      %slice3A_273 = vector.extract_strided_slice %dot_general3A_272 {offsets = [0, 0], sizes = [80, 1], strides = [1, 1]} : vector<80x5xf32> to vector<80x1xf32>
      %slice3A_274 = vector.extract_strided_slice %dot_general3A_272 {offsets = [0, 1], sizes = [80, 1], strides = [1, 1]} : vector<80x5xf32> to vector<80x1xf32>
      %slice3A_275 = vector.extract_strided_slice %dot_general3A_272 {offsets = [0, 2], sizes = [80, 1], strides = [1, 1]} : vector<80x5xf32> to vector<80x1xf32>
      %slice3A_276 = vector.extract_strided_slice %dot_general3A_272 {offsets = [0, 3], sizes = [80, 1], strides = [1, 1]} : vector<80x5xf32> to vector<80x1xf32>
      %slice3A_277 = vector.extract_strided_slice %dot_general3A_272 {offsets = [0, 4], sizes = [80, 1], strides = [1, 1]} : vector<80x5xf32> to vector<80x1xf32>
      %min3A_278 = vector.broadcast %min3A_75 : vector<1x5120xf32> to vector<80x5120xf32>
      %min3A_279 = vector.broadcast %slice3A_275 : vector<80x1xf32> to vector<80x5120xf32>
      %min3A_280 = arith.minimumf %min3A_278, %min3A_279 : vector<80x5120xf32>
      %max3A_281 = vector.broadcast %min3A_55 : vector<1x5120xf32> to vector<80x5120xf32>
      %max3A_282 = vector.broadcast %slice3A_273 : vector<80x1xf32> to vector<80x5120xf32>
      %max3A_283 = arith.maximumf %max3A_281, %max3A_282 : vector<80x5120xf32>
      %sub3A_284 = arith.subf %min3A_280, %max3A_283 : vector<80x5120xf32>
      %max3A_285 = arith.constant 0.000000e+00 : f32
      %max3A_286 = vector.broadcast %max3A_285 : f32 to vector<80x5120xf32>
      %max3A_287 = arith.maximumf %sub3A_284, %max3A_286 : vector<80x5120xf32>
      %min3A_288 = vector.broadcast %min3A_85 : vector<1x5120xf32> to vector<80x5120xf32>
      %min3A_289 = vector.broadcast %slice3A_276 : vector<80x1xf32> to vector<80x5120xf32>
      %min3A_290 = arith.minimumf %min3A_288, %min3A_289 : vector<80x5120xf32>
      %max3A_291 = vector.broadcast %min3A_65 : vector<1x5120xf32> to vector<80x5120xf32>
      %max3A_292 = vector.broadcast %slice3A_274 : vector<80x1xf32> to vector<80x5120xf32>
      %max3A_293 = arith.maximumf %max3A_291, %max3A_292 : vector<80x5120xf32>
      %sub3A_294 = arith.subf %min3A_290, %max3A_293 : vector<80x5120xf32>
      %max3A_295 = arith.constant 0.000000e+00 : f32
      %max3A_296 = vector.broadcast %max3A_295 : f32 to vector<80x5120xf32>
      %max3A_297 = arith.maximumf %sub3A_294, %max3A_296 : vector<80x5120xf32>
      %mul3A_298 = arith.mulf %max3A_287, %max3A_297 : vector<80x5120xf32>
      %add3A_299 = vector.broadcast %mul3A_94 : vector<1x5120xf32> to vector<80x5120xf32>
      %add3A_300 = vector.broadcast %slice3A_277 : vector<80x1xf32> to vector<80x5120xf32>
      %add3A_301 = arith.addf %add3A_299, %add3A_300 : vector<80x5120xf32>
      %sub3A_302 = arith.subf %add3A_301, %mul3A_298 : vector<80x5120xf32>
      %gt3A_303 = arith.constant 0.000000e+00 : f32
      %gt3A_304 = vector.broadcast %gt3A_303 : f32 to vector<80x5120xf32>
      %gt3A_305 = arith.cmpf ogt, %sub3A_302, %gt3A_304 : vector<80x5120xf32>
      %max3A_306 = arith.constant 9.99999996E-13 : f32
      %max3A_307 = vector.broadcast %max3A_306 : f32 to vector<80x5120xf32>
      %max3A_308 = arith.maximumf %sub3A_302, %max3A_307 : vector<80x5120xf32>
      %div3A = arith.divf %mul3A_298, %max3A_308 : vector<80x5120xf32>
      %gt3A_309 = arith.constant 5.000000e-01 : f32
      %gt3A_310 = vector.broadcast %gt3A_309 : f32 to vector<80x5120xf32>
      %gt3A_311 = arith.cmpf ogt, %div3A, %gt3A_310 : vector<80x5120xf32>
      %and3A_312 = arith.andi %gt3A_305, %gt3A_311 : vector<80x5120xi1>
      %or3A = arith.ori %and3A_312, %eq3A_265 : vector<80x5120xi1>
      %jit3A_313 = arith.constant -1.000000e+09 : f32
      %broadcast_in_dim3A_314 = vector.broadcast %jit3A_313 : f32 to vector<80x5120xf32>
      %select_n3A_315 = arith.select %or3A, %broadcast_in_dim3A_314, %scan3A_252 : vector<80x5120xi1>, vector<80x5120xf32>
      %eq3A_316 = vector.broadcast %scan3A_251 : i32 to vector<80x128xi32>
      %eq3A_317 = arith.cmpi eq, %iota3A_185, %eq3A_316 : vector<80x128xi32>
      %broadcast_in_dim3A_318 = vector.shape_cast %broadcast_in_dim3A_256 : vector<80x1xf32> to vector<80x1xf32>
      %broadcast_in_dim3A_319 = vector.broadcast %broadcast_in_dim3A_318 : vector<80x1xf32> to vector<80x128xf32>
      %select_n3A_320 = arith.select %eq3A_317, %broadcast_in_dim3A_319, %scan3A_253 : vector<80x128xi1>, vector<80x128xf32>
      %convert_element_type3A_321 = arith.sitofp %broadcast_in_dim3A_263 : vector<80x1xi32> to vector<80x1xf32>
      %broadcast_in_dim3A_322 = vector.shape_cast %convert_element_type3A_321 : vector<80x1xf32> to vector<80x1xf32>
      %broadcast_in_dim3A_323 = vector.broadcast %broadcast_in_dim3A_322 : vector<80x1xf32> to vector<80x128xf32>
      %select_n3A_324 = arith.select %eq3A_317, %broadcast_in_dim3A_323, %scan3A_254 : vector<80x128xi1>, vector<80x128xf32>
      scf.yield %select_n3A_315, %select_n3A_320, %select_n3A_324 : vector<80x5120xf32>, vector<80x128xf32>, vector<80x128xf32>
    }
    %scan3A_194 = arith.constant 100 : i32
    %iota3A_195 = tpu.iota {dimensions = array<i32: 0>} : vector<80x128xi32>
    %mul3A_196 = arith.constant 128 : i32
    %mul3A_197 = vector.broadcast %mul3A_196 : i32 to vector<80x128xi32>
    %mul3A_198 = arith.muli %iota3A_195, %mul3A_197 : vector<80x128xi32>
    %add3A_199 = arith.addi %mul3A_198, %iota3A_185 : vector<80x128xi32>
    %iota3A_200 = tpu.iota {dimensions = array<i32: 0>} : vector<128x1xi32>
    %broadcast_in_dim3A_201 = arith.constant 0.000000e+00 : f32
    %broadcast_in_dim3A_202 = vector.broadcast %broadcast_in_dim3A_201 : f32 to vector<128x1xf32>
    %broadcast_in_dim3A_203 = arith.constant 0.000000e+00 : f32
    %broadcast_in_dim3A_204 = vector.broadcast %broadcast_in_dim3A_203 : f32 to vector<128x1xf32>
    %scan3A_205 = arith.constant 0 : i32
    %scan3A_206 = arith.constant 100 : i32
    %scan3A_207 = arith.addi %scan3A_205, %scan3A_206 : i32
    %scan3A_208 = arith.constant 1 : i32
    %scan3A_209:3 = scf.for %scan3A_251 = %scan3A_205 to %scan3A_207 step %scan3A_208 iter_args(%scan3A_252 = %scan3A_193#1, %scan3A_253 = %broadcast_in_dim3A_202, %scan3A_254 = %broadcast_in_dim3A_204) -> (vector<80x128xf32>, vector<128x1xf32>, vector<128x1xf32>)  : i32 {
      %reduce_max3A = vector.shape_cast %scan3A_252 : vector<80x128xf32> to vector<1x80x128xf32>
      %reduce_max3A_255 = arith.constant dense<0xFF800000> : vector<1xf32>
      %reduce_max3A_256 = vector.multi_reduction <maximumf>, %reduce_max3A, %reduce_max3A_255 [1, 2] : vector<1x80x128xf32> to vector<1xf32>
      %reduce_max3A_257 = vector.shape_cast %reduce_max3A_256 : vector<1xf32> to vector<1x1x1xf32>
      %reduce_max3A_258 = vector.extract %reduce_max3A_257[0, 0, 0] : f32 from vector<1x1x1xf32>
      %broadcast_in_dim3A_259 = vector.broadcast %reduce_max3A_258 : f32 to vector<1x1xf32>
      %eq3A_260 = vector.broadcast %broadcast_in_dim3A_259 : vector<1x1xf32> to vector<80x128xf32>
      %eq3A_261 = arith.cmpf oeq, %scan3A_252, %eq3A_260 : vector<80x128xf32>
      %jit3A_262 = arith.constant 1073741824 : i32
      %broadcast_in_dim3A_263 = vector.broadcast %jit3A_262 : i32 to vector<80x128xi32>
      %select_n3A_264 = arith.select %eq3A_261, %add3A_199, %broadcast_in_dim3A_263 : vector<80x128xi1>, vector<80x128xi32>
      %reduce_min3A = vector.shape_cast %select_n3A_264 : vector<80x128xi32> to vector<1x80x128xi32>
      %reduce_min3A_265 = arith.constant dense<2147483647> : vector<1xi32>
      %reduce_min3A_266 = vector.multi_reduction <minsi>, %reduce_min3A, %reduce_min3A_265 [1, 2] : vector<1x80x128xi32> to vector<1xi32>
      %reduce_min3A_267 = vector.shape_cast %reduce_min3A_266 : vector<1xi32> to vector<1x1x1xi32>
      %reduce_min3A_268 = vector.extract %reduce_min3A_267[0, 0, 0] : i32 from vector<1x1x1xi32>
      %broadcast_in_dim3A_269 = vector.broadcast %reduce_min3A_268 : i32 to vector<1x1xi32>
      %eq3A_270 = vector.broadcast %broadcast_in_dim3A_269 : vector<1x1xi32> to vector<80x128xi32>
      %eq3A_271 = arith.cmpi eq, %add3A_199, %eq3A_270 : vector<80x128xi32>
      %jit3A_272 = arith.constant 0.000000e+00 : f32
      %broadcast_in_dim3A_273 = vector.broadcast %jit3A_272 : f32 to vector<80x128xf32>
      %select_n3A_274 = arith.select %eq3A_271, %scan3A_193#2, %broadcast_in_dim3A_273 : vector<80x128xi1>, vector<80x128xf32>
      %reduce_sum3A_275 = vector.shape_cast %select_n3A_274 : vector<80x128xf32> to vector<1x80x128xf32>
      %reduce_sum3A_276 = arith.constant dense<0.000000e+00> : vector<1xf32>
      %reduce_sum3A_277 = vector.multi_reduction <add>, %reduce_sum3A_275, %reduce_sum3A_276 [1, 2] : vector<1x80x128xf32> to vector<1xf32>
      %reduce_sum3A_278 = vector.shape_cast %reduce_sum3A_277 : vector<1xf32> to vector<1x1x1xf32>
      %reduce_sum3A_279 = vector.extract %reduce_sum3A_278[0, 0, 0] : f32 from vector<1x1x1xf32>
      %broadcast_in_dim3A_280 = vector.broadcast %reduce_sum3A_279 : f32 to vector<1x1xf32>
      %gt3A_281 = arith.constant -5.000000e+08 : f32
      %gt3A_282 = vector.broadcast %gt3A_281 : f32 to vector<1x1xf32>
      %gt3A_283 = arith.cmpf ogt, %broadcast_in_dim3A_259, %gt3A_282 : vector<1x1xf32>
      %convert_element_type3A_284 = arith.extui %gt3A_283 : vector<1x1xi1> to vector<1x1xi32>
      %convert_element_type3A_285 = arith.sitofp %convert_element_type3A_284 : vector<1x1xi32> to vector<1x1xf32>
      %eq3A_286 = vector.broadcast %scan3A_251 : i32 to vector<128x1xi32>
      %eq3A_287 = arith.cmpi eq, %iota3A_200, %eq3A_286 : vector<128x1xi32>
      %broadcast_in_dim3A_288 = vector.shape_cast %broadcast_in_dim3A_280 : vector<1x1xf32> to vector<1x1xf32>
      %broadcast_in_dim3A_289 = vector.broadcast %broadcast_in_dim3A_288 : vector<1x1xf32> to vector<128x1xf32>
      %select_n3A_290 = arith.select %eq3A_287, %broadcast_in_dim3A_289, %scan3A_253 : vector<128x1xi1>, vector<128x1xf32>
      %broadcast_in_dim3A_291 = vector.shape_cast %convert_element_type3A_285 : vector<1x1xf32> to vector<1x1xf32>
      %broadcast_in_dim3A_292 = vector.broadcast %broadcast_in_dim3A_291 : vector<1x1xf32> to vector<128x1xf32>
      %select_n3A_293 = arith.select %eq3A_287, %broadcast_in_dim3A_292, %scan3A_254 : vector<128x1xi1>, vector<128x1xf32>
      %jit3A_294 = arith.constant -1.000000e+09 : f32
      %broadcast_in_dim3A_295 = vector.broadcast %jit3A_294 : f32 to vector<80x128xf32>
      %select_n3A_296 = arith.select %eq3A_271, %broadcast_in_dim3A_295, %scan3A_252 : vector<80x128xi1>, vector<80x128xf32>
      scf.yield %select_n3A_296, %select_n3A_290, %select_n3A_293 : vector<80x128xf32>, vector<128x1xf32>, vector<128x1xf32>
    }
    %scan3A_210 = arith.constant 100 : i32
    %iota3A_211 = tpu.iota {dimensions = array<i32: 1>} : vector<128x5120xi32>
    %convert_element_type3A = arith.fptosi %scan3A_209#1 : vector<128x1xf32> to vector<128x1xi32>
    %eq3A = vector.broadcast %convert_element_type3A : vector<128x1xi32> to vector<128x5120xi32>
    %eq3A_212 = arith.cmpi eq, %iota3A_211, %eq3A : vector<128x5120xi32>
    %gt3A_213 = arith.constant 0.000000e+00 : f32
    %gt3A_214 = vector.broadcast %gt3A_213 : f32 to vector<128x1xf32>
    %gt3A_215 = arith.cmpf ogt, %scan3A_209#2, %gt3A_214 : vector<128x1xf32>
    %and3A_216 = vector.broadcast %gt3A_215 : vector<128x1xi1> to vector<128x5120xi1>
    %and3A_217 = arith.andi %eq3A_212, %and3A_216 : vector<128x5120xi1>
    %jit3A_218 = arith.constant 1.000000e+00 : f32
    %jit3A_219 = arith.constant 0.000000e+00 : f32
    %broadcast_in_dim3A_220 = vector.broadcast %jit3A_218 : f32 to vector<128x5120xf32>
    %broadcast_in_dim3A_221 = vector.broadcast %jit3A_219 : f32 to vector<128x5120xf32>
    %select_n3A_222 = arith.select %and3A_217, %broadcast_in_dim3A_220, %broadcast_in_dim3A_221 : vector<128x5120xi1>, vector<128x5120xf32>
    %mul3A_223 = vector.broadcast %slice3A : vector<1x5120xf32> to vector<128x5120xf32>
    %mul3A_224 = arith.mulf %select_n3A_222, %mul3A_223 : vector<128x5120xf32>
    %dot_general3A = arith.constant dense<0.000000e+00> : vector<128x128xf32>
    %dot_general3A_225 = tpu.matmul %mul3A_224, %get3A_97, %dot_general3A {dimension_numbers = #tpu.dot_dimension_numbers<[1], [0], [0], [1], [0, 0, 1, 1], [], []>, transpose_lhs_hint = false} : vector<128x5120xf32>, vector<5120x128xf32>, vector<128x128xf32> -> vector<128x128xf32>
    %swap3A = arith.constant 0 : index
    %swap3A_226 = arith.constant 0 : index
    %swap3A_227 = vector.load %arg3[%swap3A, %swap3A_226] : memref<128x128xf32, #tpu.memory_space<vmem>>, vector<128x128xf32>
    tpu.vector_store %arg3[%swap3A, %swap3A_226], %dot_general3A_225 {strides = array<i32>} : memref<128x128xf32, #tpu.memory_space<vmem>>, vector<128x128xf32>,
    %mul3A_228 = vector.broadcast %min3A_55 : vector<1x5120xf32> to vector<128x5120xf32>
    %mul3A_229 = arith.mulf %select_n3A_222, %mul3A_228 : vector<128x5120xf32>
    %reduce_sum3A = arith.constant dense<0.000000e+00> : vector<128xf32>
    %reduce_sum3A_230 = vector.multi_reduction <add>, %mul3A_229, %reduce_sum3A [1] : vector<128x5120xf32> to vector<128xf32>
    %broadcast_in_dim3A_231 = vector.shape_cast %reduce_sum3A_230 : vector<128xf32> to vector<128x1xf32>
    %mul3A_232 = vector.broadcast %min3A_65 : vector<1x5120xf32> to vector<128x5120xf32>
    %mul3A_233 = arith.mulf %select_n3A_222, %mul3A_232 : vector<128x5120xf32>
    %reduce_sum3A_234 = arith.constant dense<0.000000e+00> : vector<128xf32>
    %reduce_sum3A_235 = vector.multi_reduction <add>, %mul3A_233, %reduce_sum3A_234 [1] : vector<128x5120xf32> to vector<128xf32>
    %broadcast_in_dim3A_236 = vector.shape_cast %reduce_sum3A_235 : vector<128xf32> to vector<128x1xf32>
    %mul3A_237 = vector.broadcast %min3A_75 : vector<1x5120xf32> to vector<128x5120xf32>
    %mul3A_238 = arith.mulf %select_n3A_222, %mul3A_237 : vector<128x5120xf32>
    %reduce_sum3A_239 = arith.constant dense<0.000000e+00> : vector<128xf32>
    %reduce_sum3A_240 = vector.multi_reduction <add>, %mul3A_238, %reduce_sum3A_239 [1] : vector<128x5120xf32> to vector<128xf32>
    %broadcast_in_dim3A_241 = vector.shape_cast %reduce_sum3A_240 : vector<128xf32> to vector<128x1xf32>
    %mul3A_242 = vector.broadcast %min3A_85 : vector<1x5120xf32> to vector<128x5120xf32>
    %mul3A_243 = arith.mulf %select_n3A_222, %mul3A_242 : vector<128x5120xf32>
    %reduce_sum3A_244 = arith.constant dense<0.000000e+00> : vector<128xf32>
    %reduce_sum3A_245 = vector.multi_reduction <add>, %mul3A_243, %reduce_sum3A_244 [1] : vector<128x5120xf32> to vector<128xf32>
    %broadcast_in_dim3A_246 = vector.shape_cast %reduce_sum3A_245 : vector<128xf32> to vector<128x1xf32>
    %concatenate3A_247 = tpu.concatenate %broadcast_in_dim3A_231, %broadcast_in_dim3A_236, %broadcast_in_dim3A_241, %broadcast_in_dim3A_246 in 1 : vector<128x1xf32>, vector<128x1xf32>, vector<128x1xf32>, vector<128x1xf32> -> vector<128x4xf32>
    %swap3A_248 = arith.constant 0 : index
    %swap3A_249 = arith.constant 0 : index
    %swap3A_250 = vector.load %arg4[%swap3A_248, %swap3A_249] : memref<128x4xf32, #tpu.memory_space<vmem>>, vector<128x4xf32>
    tpu.vector_store %arg4[%swap3A_248, %swap3A_249], %concatenate3A_247 {strides = array<i32>} : memref<128x4xf32, #tpu.memory_space<vmem>>, vector<128x4xf32>,
    return
  }
}

</mosaic_0001>

<sc_bundles>
// kernel: kernel.5.cloned.1.call-start
scs
__scs_entry_jumppad:
0x0: {  	(pc) =	sbr.rel $0x88, $3  }
0x1: {  	(tag) =	ssettag $0x0;
	lr =	simm.s32 $0x1  }
0x2: {  	[smem:$0x3F9D] =	sst lr;
	_ =	strace $0xD0000000  }
0x3: {  	_ = 	snop  }
0x4: {  	_ = 	snop  }
0x5: {  	_ = 	snop  }
0x6: {  	_ = 	snop  }
0x7: {  	_ = 	snop  }
__scs_overlays_trampoline_lowered:
0x8: {  	[smem:$0x3FAC] =	sst s0  }
0x9: {  	[smem:$0x3FAD] =	sst s1  }
0xa: {  	[smem:$0x3FAE] =	sst s2  }
0xb: {  	[smem:$0x3FAF] =	sst s3  }
0xc: {  	[smem:$0x3FB0] =	sst s4  }
0xd: {  	[smem:$0x3FB1] =	sst s5  }
0xe: {  	[smem:$0x3FB2] =	sst s6  }
0xf: {  	[smem:$0x3FB3] =	sst s7  }
0x10: {  	[smem:$0x3FB4] =	sst s8  }
0x11: {  	[smem:$0x3FB5] =	sst s9;
	s0 =	simm.s32 @!p0 $0x0  }
0x12: {  	s1 =	sld [smem:$0x3F9B];
	s0 =	simm.s32 @p0 $0x1  }
0x13: {  	[smem:$0x3FB6] =	sst s0;
	s0 =	simm.s32 @!p1 $0x0  }
0x14: {  	s2 =	sld [smem:$0x3F9A];
	s0 =	simm.s32 @p1 $0x1  }
0x15: {  	[smem:$0x3FB7] =	sst s0;
	s0 =	simm.s32 @!p2 $0x0  }
0x16: {  	s3 =	sld [smem:$0x3FDB];
	s0 =	simm.s32 @p2 $0x1  }
0x17: {  	s4 =	simm.s32 $0x1BF5;
	[smem:$0x3FB9] =	sst s0  }
0x18: {  	s0 =	sld [smem:$0x3F9C];
	_ =	swait.ge [sflag:s4], $0x0  }
0x19: {  	s7 =	sld [smem:$0x3F9D]  }
0x1a: {  	s8 =	sadd.s32 $0xFFFFE003, lr  }
0x1b: {  	s9 =	sadd.s32 $0xFFFFFEF7, lr;
	s5 =	simm.s32 $0xFFFFFFFF;
	p2 =	slt.u32 s8, $0xFFFFF086  }
0x1c: {  	p1 =	slt.u32 s9, $0xF7A;
	s5 =	simm.s32 @!p2 $0x0  }
0x1d: {  	s5 =	simm.s32 @p1 $0x1;
	p0 =	seq.s32 s7, s2  }
0x1e: {  	s7 =	smul.u32 @!p0 $0xF7A, s2;
	p2 =	seq.s32 @!p0 s5, $0x0  }
0x1f: {  	s9 =	smul.u32 $0xF7A, s1;
	s8 =	simm.s32 @!p0 $0x1BF5;
	p2 =	por !p2, p0  }
0x20: {  	[sflag:s8] =	ssyncset.s32 @!p0 $0xFFFFF086;
	s6 =	sadd.s32 @!p0 s3, s7;
	s7 =	simm.s32 @!p0 $0x108  }
0x21: {  	s3 =	sadd.s32 s3, s9;
	s6 =	sadd.s32 @!p0 $0x88, s6;
	s7 =	simm.s32 @p2 $0x1082  }
0x22: {  	[simem:s7], [sflag:s8] =	dma.local @!p0 [hbm:s6], $0xF7A  }
0x23: {  	s9 =	sor.u32 $0xD0000000, s2;
	s6 =	simm.s32 $0x108;
	_ =	swait.ge @!p0 [sflag:s8], $0x0  }
0x24: {  	s3 =	sadd.s32 $0x88, s3;
	s6 =	simm.s32 @!p1 $0x1082;
	[sflag:s4] =	ssyncset.s32 $0xFFFFF086  }
0x25: {  	[simem:s6], [sflag:s4] =	dma.local [hbm:s3], $0xF7A  }
0x26: {  	[smem:$0x3F9D] =	sst s1;
	(tag) =	ssettag s2;
	_ =	strace s9  }
0x27: {  	s1 =	sld [smem:$0x3FAD]  }
0x28: {  	s2 =	sld [smem:$0x3FAE]  }
0x29: {  	s4 =	sld [smem:$0x3FB0]  }
0x2a: {  	p0 =	seq.s32 s5, $0x0;
	s5 =	sld [smem:$0x3FB1]  }
0x2b: {  	s6 =	sld [smem:$0x3FB2]  }
0x2c: {  	s7 =	sld [smem:$0x3FB3]  }
0x2d: {  	s3 =	simm.s32 $0x108;
	s8 =	sld [smem:$0x3FB4]  }
0x2e: {  	s3 =	simm.s32 @!p0 $0x1082;
	s9 =	sld [smem:$0x3FB5]  }
0x2f: {  	lr =	sadd.s32 s0, s3;
	s0 =	sld [smem:$0x3FAC]  }
0x30: {  	s3 =	sld [smem:$0x3FAF]  }
0x31: {  	[smem:$0x3FB8] =	sst s10  }
0x32: {  	s10 =	sld [smem:$0x3FB6];
	_ =	sdelay $0x3  }
0x33: {  	p0 =	seq.s32 s10, $0x1;
	s10 =	sld [smem:$0x3FB8];
	_ =	sdelay $0x3  }
0x34: {  	[smem:$0x3FB8] =	sst s10  }
0x35: {  	s10 =	sld [smem:$0x3FB7];
	_ =	sdelay $0x3  }
0x36: {  	p1 =	seq.s32 s10, $0x1;
	s10 =	sld [smem:$0x3FB8];
	_ =	sdelay $0x3  }
0x37: {  	[smem:$0x3FB8] =	sst s10  }
0x38: {  	s10 =	sld [smem:$0x3FB9]  }
0x39: {  	_ = 	snop;
	(pc) =	sbr.ind lr, $3  }
0x3a: {  	_ = 	snop  }
0x3b: {  	_ = 	snop  }
0x3c: {  	p2 =	seq.s32 s10, $0x1;
	s10 =	sld [smem:$0x3FB8]  }
0x3d: {  	_ =	shalt  }
0x3e: {  	_ =	shalt  }
0x3f: {  	_ =	shalt  }
0x40: {  	_ =	shalt  }
0x41: {  	_ =	shalt  }
0x42: {  	_ =	shalt  }
0x43: {  	_ =	shalt  }
0x44: {  	_ =	shalt  }
0x45: {  	_ =	shalt  }
0x46: {  	_ =	shalt  }
0x47: {  	_ =	shalt  }
0x48: {  	_ =	shalt  }
0x49: {  	_ =	shalt  }
0x4a: {  	_ =	shalt  }
0x4b: {  	_ =	shalt  }
0x4c: {  	_ =	shalt  }
0x4d: {  	_ =	shalt  }
0x4e: {  	_ =	shalt  }
0x4f: {  	_ =	shalt  }
0x50: {  	_ =	shalt  }
0x51: {  	_ =	shalt  }
0x52: {  	_ =	shalt  }
0x53: {  	_ =	shalt  }
0x54: {  	_ =	shalt  }
0x55: {  	_ =	shalt  }
0x56: {  	_ =	shalt  }
0x57: {  	_ =	shalt  }
0x58: {  	_ =	shalt  }
0x59: {  	_ =	shalt  }
0x5a: {  	_ =	shalt  }
0x5b: {  	_ =	shalt  }
0x5c: {  	_ =	shalt  }
0x5d: {  	_ =	shalt  }
0x5e: {  	_ =	shalt  }
0x5f: {  	_ =	shalt  }
0x60: {  	_ =	shalt  }
0x61: {  	_ =	shalt  }
0x62: {  	_ =	shalt  }
0x63: {  	_ =	shalt  }
0x64: {  	_ =	shalt  }
0x65: {  	_ =	shalt  }
0x66: {  	_ =	shalt  }
0x67: {  	_ =	shalt  }
0x68: {  	_ =	shalt  }
0x69: {  	_ =	shalt  }
0x6a: {  	_ =	shalt  }
0x6b: {  	_ =	shalt  }
0x6c: {  	_ =	shalt  }
0x6d: {  	_ =	shalt  }
0x6e: {  	_ =	shalt  }
0x6f: {  	_ =	shalt  }
0x70: {  	_ =	shalt  }
0x71: {  	_ =	shalt  }
0x72: {  	_ =	shalt  }
0x73: {  	_ =	shalt  }
0x74: {  	_ =	shalt  }
0x75: {  	_ =	shalt  }
0x76: {  	_ =	shalt  }
0x77: {  	_ =	shalt  }
0x78: {  	_ =	shalt  }
0x79: {  	_ =	shalt  }
0x7a: {  	_ =	shalt  }
0x7b: {  	_ =	shalt  }
0x7c: {  	_ =	shalt  }
0x7d: {  	_ =	shalt  }
0x7e: {  	_ =	shalt  }
0x7f: {  	_ =	shalt  }
0x80: {  	_ =	shalt  }
0x81: {  	_ =	shalt  }
0x82: {  	_ =	shalt  }
0x83: {  	_ =	shalt  }
0x84: {  	_ =	shalt  }
0x85: {  	_ =	shalt  }
0x86: {  	_ =	shalt  }
0x87: {  	_ =	shalt  }
.Lfunc_end0:
.L_simem_size_0:
called_computation_lowered:
.L_overlay_start_0:
0x88: {  	s2 =	sld [smem:$0x3FD9]  }
0x89: {  	s3 =	sld [smem:$0x3FFE];
	_ =	sdelay $0x1  }
0x8a: {  	s1 =	srdreg.scid  }
0x8b: {  	s0 =	sand.u32 $0x1, s1  }
0x8c: {  	s14 =	sshll.u32 s0, $0xA;
	s2 =	sadd.s32 s3, s2  }
0x8d: {  	s2 =	sadd.s32 s2, s14  }
0x8e: {  	[smem:$0x3FC4] =	sst s2  }
0x8f: {  	_ = 	snop  }
0x90: {  	s2 =	sld [smem:$0x3FD0];
	_ =	sdelay $0x2  }
0x91: {  	s15 =	simm.s32 $0xA;
	s4 =	simm.s32 $0x10  }
0x92: {  	[smem:s4], [sflag:s15] =	dma.local [hbm:s2], $0x1  }
0x93: {  	_ =	swait.eq [sflag:s15], $0x1  }
0x94: {  	[sflag:s15] =	ssyncset.done $0x0  }
0x95: {  	[sflag:s15] =	ssyncadd.s32 $0xFFFFFFFF  }
0x96: {  	s16 =	sld [smem:$0x10];
	(tm) =	ssettm $0x1  }
0x97: {  	s17 =	sld [smem:$0x3FFB];
	_ =	sdelay $0x3  }
0x98: {  	_ =	strace s17  }
0x99: {  	s3 =	sld [smem:$0x3FFC];
	_ =	sdelay $0x3  }
0x9a: {  	_ =	strace s3  }
0x9b: {  	s3 =	sld [smem:$0x3FFD];
	_ =	sdelay $0x3  }
0x9c: {  	_ =	strace s3  }
0x9d: {  	_ =	strace $0x8FFFFFFF  }
0x9e: {  	s18 =	sld [smem:$0x3FDB];
	_ =	sdelay $0x1  }
0x9f: {  	s19 =	simm.s32 $_scs_section_size  }
0xa0: {  	s5 =	simm.s32 $_size__tile_overlayer_lowered;
	s6 =	simm.s32 $_tile_overlayer_lowered  }
0xa1: {  	s22 =	simm.s32 $0x1BFF;
	s21 =	sshll.u32 s6, $0x1;
	s3 =	sadd.s32 s19, s18  }
0xa2: {  	s7 =	simm.s32 $0x0;
	s20 =	sshll.u32 s5, $0x1;
	s5 =	sadd.s32 s21, s3  }
0xa3: {  	[timem:s7], [sflag:s22] =	dma.local [hbm:s5], s20  }
0xa4: {  	_ =	swait.ge [sflag:s22], s20  }
0xa5: {  	s4 =	ssub.s32 $0x0, s20;
	[sflag:s22] =	ssyncset.done $0x0  }
0xa6: {  	[sflag:s22] =	ssyncadd.s32 s4;
	_ =	sdelay $0x1  }
0xa7: {  	s23 =	simm.s32 $0x1B8B  }
0xa8: {  	_ =	swait.ge [sflag:s23], $0x1  }
0xa9: {  	[sflag:s23] =	ssyncset.done $0x0  }
0xaa: {  	s25 =	simm.s32 $0x1B8E;
	s24 =	sld [smem:$0x3FFE];
	[sflag:s23] =	ssyncadd.s32 $0xFFFFFFFF  }
0xab: {  	s26 =	simm.s32 $execute0_lowered;
	[smem:$0x3FD2] =	sst s25  }
0xac: {  	s5 =	sshll.u32 s26, $0x1;
	_ =	strace $0x80000046;
	[dreg:$0x1] =	wrdreg $0xFFFFFFFF  }
0xad: {  	s28 =	simm.s32 $_size_execute0_lowered;
	s3 =	sadd.s32 s3, s5;
	[dreg:$0x0] =	wrdreg $0x0  }
0xae: {  	s5 =	sshll.u32 s28, $0x1;
	[dreg:$0x2] =	wrdreg s3  }
0xaf: {  	[dreg:$0x3] =	wrdreg s5  }
0xb0: {  	[dreg:$0x4] =	wrdreg $0xC0  }
0xb1: {  	_ =	task [dreg:s7], $0x5FFFF  }
0xb2: {  	[dreg:$0x1] =	wrdreg $0xFFFFFFFF  }
0xb3: {  	[dreg:$0x0] =	wrdreg $0x60  }
0xb4: {  	[dreg:$0x2] =	wrdreg s24  }
0xb5: {  	[dreg:$0x3] =	wrdreg s16  }
0xb6: {  	[dreg:$0x4] =	wrdreg $0x9  }
0xb7: {  	_ =	task.clear_ibuf [dreg:s7], $0x5FFFF;
	_ =	strace $0x90000046  }
0xb8: {  	s29 =	simm.s32 $0x9;
	_ =	strace $0x80000048  }
0xb9: {  	_ =	swait.ge [sflag:s29], $0x1  }
0xba: {  	[sflag:s29] =	ssyncadd.s32 $0xFFFFFFFF  }
0xbb: {  	_ =	strace $0x90000048  }
0xbc: {  	_ =	sfence  }
0xbd: {  	s30 =	sld [smem:$0x0];
	_ =	sdelay $0x2  }
0xbe: {  	s31 =	sshll.u32 s1, $0xD;
	s1 =	sshrl.u32 s1, $0x2  }
0xbf: {  	s3 =	sand.u32 $0x4000, s31;
	s1 =	sadd.s32 s1, s30  }
0xc0: {  	s0 =	sor.u32 s3, s0;
	s1 =	sshll.u32 s1, $0x11  }
0xc1: {  	s0 =	sor.u32 s1, s0  }
0xc2: {  	s0 =	sadd.s32 $0x8F2B, s0  }
0xc3: {  	[sflag:s0] =	ssyncadd.remote.s32 $0x1  }
0xc4: {  	_ =	sfence.sel $0xFFFF  }
0xc5: {  	[dreg:$0x0] =	wrdreg $0xFFFFFFFF;
	(pc) =	sbr.abs _section_cstart, $3  }
0xc6: {  	[dreg:$0x1] =	wrdreg $0xFFFFFFFF  }
0xc7: {  	_ =	task.clear_ibuf [dreg:s7], $0x2FFFF;
	_ =	strace $0x9FFFFFFF  }
0xc8: {  	(tm) =	ssettm $0x7FFFFFFF  }
0xc9: {  	_ =	shalt  }
tec
execute0_lowered:
.L_overlay_start_1:
0x0: {  	(tag) =	ssettag $0x1  }
0x1: {  	s1 =	srdreg.scid;
	s0 =	stileid.u32  }
0x2: {  	s2 =	rddreg [dreg:$0x0];
	s6 =	sand.u32 $0x1, s1;
	s31 =	sshll.u32 s0, $0x1  }
0x3: {  	s4 =	rddreg [dreg:$0x1];
	s3 =	simm.s32 $0x0;
	s7 =	sor.u32 s6, s31  }
0x4: {  	[smem:$0x7FF] =	sst s3;
	s5 =	smul.u32 $0x14, s7  }
0x5: {  	s8 =	simm.s32 $0x1;
	s1 =	rddreg [dreg:$0x2];
	_ =	strace $0x80000047  }
0x6: {  	s10 =	ssub.s32 $0x2, s6;
	s5 =	sadd.s32 s4, s5;
	s4 =	simm.s32 $0x2  }
0x7: {  	[tilespmem:s3], [sflag:$0x2] =	stream.linear.gather [hbm4b:s5+s3], $0xA0, $0x38;
	[tilespmem:$0x5100] =	vst v63  }
0x8: {  	s6 =	simm.s32 $0xA0;
	s11 =	sshrl.u32 s10, $0x1;
	_ =	swait.ge [sflag:s4], $0xA0  }
0x9: {  	s9 =	smul.u32 $0xA00, s7;
	s10 =	ssub.s32 s10, s11;
	[sflag:s4] =	ssyncset.done $0x0  }
0xa: {  	s7 =	simm.s32 $0x100;
	s10 =	smax.u32 s10, $0x1;
	[sflag:s4] =	ssyncadd.s32 $0xFFFFFF60  }
0xb: {  	[tilespmem:s7], [sflag:$0x1] =	stream.indirect.gather [hbm4b:s2+s6], $0x80, s3, s6, $0xb8;
	[tilespmem:$0x5100] =	vst v63  }
0xc: {  	p0 =	sne.s32 s10, $0x1;
	_ =	swait.ge [sflag:s8], $0x5000  }
.Ltmp0:
0xd: {  	s9 =	sadd.s32 s9, s2;
	[sflag:s8] =	ssyncset.done $0x0;
	(pc) =	sbr.rel @!p0 .LBB2_2-.Ltmp0, $4  }
0xe: {  	s9 =	sadd.s32 $0x4E200, s9;
	[sflag:s8] =	ssyncadd.s32 $0xFFFFB000  }
0xf: {  	[hbm4b:s9+s3] =	stream.linear.scatter [tilespmem:s7], [sflag:$0x2], $0x5000, $0x38;
	[tilespmem:$0x5100] =	vst v63  }
0x10: {  	_ =	swait.ge [sflag:s4], $0x5000  }
0x11: {  	s10 =	sadd.s32 $0xFFFFFFFF, s10;
	[sflag:s4] =	ssyncset.done $0x0  }
.LBB2_1:
0x12: {  	p0 =	sne.s32 s10, $0x1;
	s10 =	sadd.s32 $0xFFFFFFFF, s10;
	[sflag:s4] =	ssyncadd.s32 $0xFFFFB000  }
0x13: {  	[tilespmem:s3], [sflag:$0x2] =	stream.linear.gather [hbm4b:s5+s3], $0xA0, $0x38;
	[tilespmem:$0x5100] =	vst v63  }
0x14: {  	_ =	swait.ge [sflag:s4], $0xA0  }
0x15: {  	[sflag:s4] =	ssyncset.done $0x0  }
0x16: {  	[sflag:s4] =	ssyncadd.s32 $0xFFFFFF60  }
0x17: {  	[tilespmem:s7], [sflag:$0x1] =	stream.indirect.gather [hbm4b:s2+s6], $0x80, s3, s6, $0xb8;
	[tilespmem:$0x5100] =	vst v63  }
0x18: {  	_ =	swait.ge [sflag:s8], $0x5000  }
.Ltmp1:
0x19: {  	[sflag:s8] =	ssyncset.done $0x0;
	(pc) =	sbr.rel @p0 .LBB2_1-.Ltmp1, $4  }
0x1a: {  	[sflag:s8] =	ssyncadd.s32 $0xFFFFB000  }
0x1b: {  	[hbm4b:s9+s3] =	stream.linear.scatter [tilespmem:s7], [sflag:$0x2], $0x5000, $0x38;
	[tilespmem:$0x5100] =	vst v63  }
0x1c: {  	_ =	swait.ge [sflag:s4], $0x5000  }
0x1d: {  	[sflag:s4] =	ssyncset.done $0x0  }
.LBB2_2:
0x1e: {  	[sflag:s4] =	ssyncadd.s32 $0xFFFFB000  }
0x1f: {  	_ =	sfence.sel $0x180000  }
0x20: {  	[bflag:$0x0] =	sbarrier.arrive $0xFFFF  }
0x21: {  	p0 =	sne.s32 s0, $0x0;
	_ =	strace $0x90000047  }
0x22: {  	s0 =	sadd.s32 @!p0 $0x100000, s1;
	[bflag:$0x2] =	sbarrier.arrive $0xFFFF  }
0x23: {  	[sflag:s0] =	ssyncadd.tile.s32 @!p0 $0x1;
	_ =	shalt  }
.Lfunc_end2:
_tile_overlayer_lowered:
.L_overlay_start_2:
0x24: {  	(tag) =	ssettag $0x2  }
0x25: {  	s0 =	rddreg [dreg:$0x0];
	s2 =	stileid.u32  }
0x26: {  	s1 =	rddreg [dreg:$0x1];
	p0 =	sne.s32 s2, $0x0  }
0x27: {  	s3 =	rddreg [dreg:$0x2];
	[bflag:$0x3] =	sbarrier.arrive $0xFFFF;
	s2 =	simm.s32 @!p0 $0x1C02  }
0x28: {  	[timem:s3], [sflag:s2] =	dma.local @!p0 [hbm:s0], s1  }
0x29: {  	s0 =	simm.s32 @!p0 $0x2  }
0x2a: {  	_ =	swait.ge @!p0 [sflag:s0], s1  }
0x2b: {  	s1 =	ssub.s32 @!p0 $0x0, s1;
	[sflag:s0] =	ssyncset.done @!p0 $0x0  }
0x2c: {  	[sflag:s0] =	ssyncadd.s32 @!p0 s1  }
0x2d: {  	[bflag:$0x3] =	sbarrier.arrive $0xFFFF  }
0x2e: {  	_ =	shalt  }

</sc_bundles>
